<compile_context>
chip_gen: v7x
topology: tpu7x:2x2x1
jax: 0.10.2.dev20260603
libtpu: 0.0.44.dev20260713+nightly
codegen_flags: <defaults>
</compile_context>

<pallas_src>
import math

import jax
import jax.numpy as jnp
from jax import lax
from jax.experimental import pallas as pl
from jax.experimental.pallas import tpu as pltpu
from jax.experimental.pallas import tpu_sc as plsc

_N_NODES = 100_000
_N_EDGES = 6_400_000
_FACTOR = 1.0 / math.sqrt(64.0)

_NC = 2
_NS = 16
_NW = _NC * _NS
_EPW = _N_EDGES // _NW
_CHUNK = 4_000
_NCHUNK = _EPW // _CHUNK
_LANES = 16
_N_ACC = 100_352
_IBUF = 4_096
_UNROLL = 10
_ZUNROLL = 8


def _sc_scatter_phase(idx_hbm, val_hbm, out_hbm,
                      idxb0, valb0, idxb1, valb1, acc, sem0, sem1):
    wid = lax.axis_index("s") * _NC + lax.axis_index("c")
    base = wid * _EPW

    idxbs = (idxb0, idxb1)
    valbs = (valb0, valb1)
    sems = (sem0, sem1)

    def start(c, b):
        off = base + c * _CHUNK
        aoff = pl.multiple_of((off // 128) * 128, 128)
        pltpu.async_copy(idx_hbm.at[:, pl.ds(aoff, _IBUF)], idxbs[b], sems[b])
        pltpu.async_copy(val_hbm.at[pl.ds(off, _CHUNK)], valbs[b], sems[b])

    def wait(b):
        pltpu.make_async_copy(idx_hbm.at[:, pl.ds(0, _IBUF)], idxbs[b],
                              sems[b]).wait()
        pltpu.make_async_copy(val_hbm.at[pl.ds(0, _CHUNK)], valbs[b],
                              sems[b]).wait()

    start(0, 0)

    zeros = jnp.zeros((_LANES,), jnp.float32)

    @plsc.parallel_loop(0, _N_ACC // _LANES, unroll=_ZUNROLL)
    def _zero(i):
        acc[pl.ds(i * _LANES, _LANES)] = zeros

    def process(c, b):
        ib, vb = idxbs[b], valbs[b]
        off = base + c * _CHUNK
        ph = off - (off // 128) * 128

        @plsc.parallel_loop(0, _CHUNK // _LANES, unroll=_UNROLL)
        def _scat(j):
            o = j * _LANES
            iv = ib[0, pl.ds(ph + o, _LANES)]
            vv = vb[pl.ds(o, _LANES)]
            plsc.addupdate_scatter(acc, [iv], vv)

    def cbody(s, carry):
        c0 = 2 * s
        start(c0 + 1, 1)
        wait(0)
        process(c0, 0)
        @pl.when(c0 + 2 < _NCHUNK)
        def _():
            start(c0 + 2, 0)
        wait(1)
        process(c0 + 1, 1)
        return carry

    lax.fori_loop(0, _NCHUNK // 2, cbody, 0)

    pltpu.sync_copy(acc, out_hbm.at[wid])


def _tc_reduce_kernel(p_ref, o_ref):
    o_ref[...] = jnp.sum(p_ref[...], axis=0) * _FACTOR


@jax.jit
def kernel(edge_features, edge_index, atom_types):
    del atom_types
    val = edge_features.reshape(_N_EDGES)

    mesh = plsc.VectorSubcoreMesh(
        core_axis_name="c", subcore_axis_name="s",
        num_cores=_NC, num_subcores=_NS,
    )
    partials = pl.kernel(
        _sc_scatter_phase,
        out_type=jax.ShapeDtypeStruct((_NW, _N_ACC), jnp.float32),
        mesh=mesh,
        compiler_params=pltpu.CompilerParams(needs_layout_passes=False),
        scratch_types=[
            pltpu.VMEM((2, _IBUF), jnp.int32),
            pltpu.VMEM((_CHUNK,), jnp.float32),
            pltpu.VMEM((2, _IBUF), jnp.int32),
            pltpu.VMEM((_CHUNK,), jnp.float32),
            pltpu.VMEM((_N_ACC,), jnp.float32),
            pltpu.SemaphoreType.DMA,
            pltpu.SemaphoreType.DMA,
        ],
    )(edge_index, val)

    bw = 14_336
    summed = pl.pallas_call(
        _tc_reduce_kernel,
        grid=(_N_ACC // bw,),
        in_specs=[pl.BlockSpec((_NW, bw), lambda i: (0, i))],
        out_specs=pl.BlockSpec((bw,), lambda i: (i,)),
        out_shape=jax.ShapeDtypeStruct((_N_ACC,), jnp.float32),
    )(partials)

    return summed[:_N_NODES].reshape(_N_NODES, 1)

# --- scband reference (transcript-rebuilt; emitter-appended) ---
"""Pipeline reference for scband-edgewise-energy-sum-78391743087027 (READ-ONLY COPY).

The authoritative reference and input builder live on the scoring server;
editing this copy changes nothing except your own understanding.
"""

import jax, jax.numpy as jnp
import numpy as np
import math

N_NODES = 100000
N_EDGES = 6400000
D = 1
AVG_NUM_NEIGHBORS = 64.0


def setup_inputs(seed: int = 0) -> dict:
    key = jax.random.key(seed)
    k1, k2, k3 = jax.random.split(key, 3)
    edge_features = jax.random.normal(k1, (N_EDGES, D), dtype=jnp.float32)
    edge_index = jax.random.randint(k2, (2, N_EDGES), 0, N_NODES)
    atom_types = jax.random.randint(k3, (N_NODES, 1), 0, 10)
    return {
        "edge_features": edge_features,
        "edge_index": edge_index,
        "atom_types": atom_types,
    }


def reference(edge_features, edge_index, atom_types):
    # EdgewiseEnergySum.forward: scatter-sum edge energies onto center atoms,
    # then normalize by 1/sqrt(avg_num_neighbors).
    edge_center = edge_index[0]
    species = jnp.squeeze(atom_types, axis=-1)
    num_nodes = species.shape[0]
    atom_eng = jax.ops.segment_sum(edge_features, edge_center, num_segments=num_nodes)
    factor = 1.0 / math.sqrt(AVG_NUM_NEIGHBORS)
    atom_eng = atom_eng * factor
    return atom_eng

if __name__ == "__main__":
    import jax
    _d = setup_inputs()
    print(jax.jit(kernel)(*tuple(_d.values())))

</pallas_src>

<mosaic_0001>
#map = affine_map<(d0, d1) -> (0, 0)>
#map1 = affine_map<(d0, d1) -> (0)>
module attributes {stable_mosaic.version = 14 : i64} {
  func.func @_sc_scatter_phase(%arg0: i32, %arg1: i32, %arg2: memref<2x6400000xi32, #tpu.memory_space<hbm>>, %arg3: memref<6400000xf32, #tpu.memory_space<hbm>>, %arg4: memref<32x100352xf32, #tpu.memory_space<hbm>>, %arg5: memref<2x4096xi32, #tpu.memory_space<vmem>>, %arg6: memref<4000xf32, #tpu.memory_space<vmem>>, %arg7: memref<2x4096xi32, #tpu.memory_space<vmem>>, %arg8: memref<4000xf32, #tpu.memory_space<vmem>>, %arg9: memref<100352xf32, #tpu.memory_space<vmem>>, %arg10: memref<!tpu.dma_semaphore, #tpu.memory_space<semaphore_mem>>, %arg11: memref<!tpu.dma_semaphore, #tpu.memory_space<semaphore_mem>>) attributes {dimension_semantics = [#tpu.dimension_semantics<core_parallel>, #tpu.dimension_semantics<subcore_parallel>], iteration_bounds = array<i64: 2, 16>, scalar_prefetch = 0 : i64, scratch_operands = 7 : i64, tpu.core_type = #tpu.core_type<sc_vector_subcore>, window_params = [{transform_indices = #map}, {transform_indices = #map1}, {transform_indices = #map}]} {
    %mul3A = arith.constant 2 : i32
    %mul3A_0 = arith.muli %arg1, %mul3A : i32
    %add3A = arith.addi %mul3A_0, %arg0 : i32
    %mul3A_1 = arith.constant 200000 : i32
    %mul3A_2 = arith.muli %add3A, %mul3A_1 : i32
    %add3A_3 = arith.constant 0 : i32
    %add3A_4 = arith.addi %mul3A_2, %add3A_3 : i32
    %jit3A = arith.constant 128 : i32
    %div3A = arith.divsi %add3A_4, %jit3A : i32
    %sign3A = arith.constant 0 : i32
    %sign3A_5 = arith.cmpi sgt, %add3A_4, %sign3A : i32
    %sign3A_6 = arith.extui %sign3A_5 : i1 to i32
    %sign3A_7 = arith.constant 0 : i32
    %sign3A_8 = arith.cmpi slt, %add3A_4, %sign3A_7 : i32
    %sign3A_9 = arith.extui %sign3A_8 : i1 to i32
    %sign3A_10 = arith.subi %sign3A_6, %sign3A_9 : i32
    %sign3A_11 = arith.constant 0 : i32
    %sign3A_12 = arith.cmpi sgt, %jit3A, %sign3A_11 : i32
    %sign3A_13 = arith.extui %sign3A_12 : i1 to i32
    %sign3A_14 = arith.constant 0 : i32
    %sign3A_15 = arith.cmpi slt, %jit3A, %sign3A_14 : i32
    %sign3A_16 = arith.extui %sign3A_15 : i1 to i32
    %sign3A_17 = arith.subi %sign3A_13, %sign3A_16 : i32
    %ne3A = arith.cmpi ne, %sign3A_10, %sign3A_17 : i32
    %rem3A = arith.remsi %add3A_4, %jit3A : i32
    %ne3A_18 = arith.constant 0 : i32
    %ne3A_19 = arith.cmpi ne, %rem3A, %ne3A_18 : i32
    %and3A = arith.andi %ne3A, %ne3A_19 : i1
    %sub3A = arith.constant 1 : i32
    %sub3A_20 = arith.subi %div3A, %sub3A : i32
    %select_n3A = arith.select %and3A, %sub3A_20, %div3A : i32
    %mul3A_21 = arith.constant 128 : i32
    %mul3A_22 = arith.muli %select_n3A, %mul3A_21 : i32
    %multiple_of3A = tpu.assume_multiple %mul3A_22, 128 : i32
    %dma_start3A = arith.constant 0 : i32
    %dma_start3A_23 = tpu.memref_slice %arg2[%dma_start3A, %multiple_of3A] : memref<2x6400000xi32, #tpu.memory_space<hbm>> -> memref<2x4096xi32, #tpu.memory_space<hbm>>
    %dma_start3A_24 = arith.constant 0 : i32
    %dma_start3A_25 = tpu.memref_slice %arg2[%dma_start3A_24, %multiple_of3A] : memref<2x6400000xi32, #tpu.memory_space<hbm>> -> memref<2x4096xi32, #tpu.memory_space<hbm>>
    tpu.enqueue_dma source(%dma_start3A_25 : memref<2x4096xi32, #tpu.memory_space<hbm>>) target(%arg5 : memref<2x4096xi32, #tpu.memory_space<vmem>>) target_semaphore(%arg10 : memref<!tpu.dma_semaphore, #tpu.memory_space<semaphore_mem>>)
    %dma_start3A_26 = tpu.memref_slice %arg3[%add3A_4] : memref<6400000xf32, #tpu.memory_space<hbm>> -> memref<4000xf32, #tpu.memory_space<hbm>>
    %dma_start3A_27 = tpu.memref_slice %arg3[%add3A_4] : memref<6400000xf32, #tpu.memory_space<hbm>> -> memref<4000xf32, #tpu.memory_space<hbm>>
    tpu.enqueue_dma source(%dma_start3A_27 : memref<4000xf32, #tpu.memory_space<hbm>>) target(%arg6 : memref<4000xf32, #tpu.memory_space<vmem>>) target_semaphore(%arg10 : memref<!tpu.dma_semaphore, #tpu.memory_space<semaphore_mem>>)
    %broadcast_in_dim3A = arith.constant 0.000000e+00 : f32
    %broadcast_in_dim3A_28 = vector.broadcast %broadcast_in_dim3A : f32 to vector<16xf32>
    %parallel_loop3A = arith.constant 0 : i32
    %parallel_loop3A_29 = arith.constant 6272 : i32
    %parallel_loop3A_30 = arith.constant 1 : i32
    scf.for %parallel_loop3A_36 = %parallel_loop3A to %parallel_loop3A_29 step %parallel_loop3A_30  : i32 {
      %parallel_loop3A_37 = arith.constant 16 : i32
      %parallel_loop3A_38 = arith.muli %parallel_loop3A_36, %parallel_loop3A_37 : i32
      %parallel_loop3A_39 = arith.index_cast %parallel_loop3A_38 : i32 to index
      %parallel_loop3A_40 = tpu.vector_load %arg9[%parallel_loop3A_39] {strides = array<i32>} : memref<100352xf32, #tpu.memory_space<vmem>>, vector<16xf32>,
      tpu.vector_store %arg9[%parallel_loop3A_39], %broadcast_in_dim3A_28 {strides = array<i32>} : memref<100352xf32, #tpu.memory_space<vmem>>, vector<16xf32>,
    } {sc.loop_unroll_factor = 8 : i64, sc.parallel_access}
    %scan3A = arith.constant 0 : i32
    %scan3A_31 = arith.constant 0 : i32
    %scan3A_32 = arith.constant 25 : i32
    %scan3A_33 = arith.addi %scan3A_31, %scan3A_32 : i32
    %scan3A_34 = arith.constant 1 : i32
    scf.for %scan3A_36 = %scan3A_31 to %scan3A_33 step %scan3A_34  : i32 {
      %mul3A_37 = arith.constant 2 : i32
      %mul3A_38 = arith.muli %mul3A_37, %scan3A_36 : i32
      %add3A_39 = arith.constant 1 : i32
      %add3A_40 = arith.addi %mul3A_38, %add3A_39 : i32
      %mul3A_41 = arith.constant 4000 : i32
      %mul3A_42 = arith.muli %add3A_40, %mul3A_41 : i32
      %add3A_43 = arith.addi %mul3A_2, %mul3A_42 : i32
      %jit3A_44 = arith.constant 128 : i32
      %div3A_45 = arith.divsi %add3A_43, %jit3A_44 : i32
      %sign3A_46 = arith.constant 0 : i32
      %sign3A_47 = arith.cmpi sgt, %add3A_43, %sign3A_46 : i32
      %sign3A_48 = arith.extui %sign3A_47 : i1 to i32
      %sign3A_49 = arith.constant 0 : i32
      %sign3A_50 = arith.cmpi slt, %add3A_43, %sign3A_49 : i32
      %sign3A_51 = arith.extui %sign3A_50 : i1 to i32
      %sign3A_52 = arith.subi %sign3A_48, %sign3A_51 : i32
      %sign3A_53 = arith.constant 0 : i32
      %sign3A_54 = arith.cmpi sgt, %jit3A_44, %sign3A_53 : i32
      %sign3A_55 = arith.extui %sign3A_54 : i1 to i32
      %sign3A_56 = arith.constant 0 : i32
      %sign3A_57 = arith.cmpi slt, %jit3A_44, %sign3A_56 : i32
      %sign3A_58 = arith.extui %sign3A_57 : i1 to i32
      %sign3A_59 = arith.subi %sign3A_55, %sign3A_58 : i32
      %ne3A_60 = arith.cmpi ne, %sign3A_52, %sign3A_59 : i32
      %rem3A_61 = arith.remsi %add3A_43, %jit3A_44 : i32
      %ne3A_62 = arith.constant 0 : i32
      %ne3A_63 = arith.cmpi ne, %rem3A_61, %ne3A_62 : i32
      %and3A_64 = arith.andi %ne3A_60, %ne3A_63 : i1
      %sub3A_65 = arith.constant 1 : i32
      %sub3A_66 = arith.subi %div3A_45, %sub3A_65 : i32
      %select_n3A_67 = arith.select %and3A_64, %sub3A_66, %div3A_45 : i32
      %mul3A_68 = arith.constant 128 : i32
      %mul3A_69 = arith.muli %select_n3A_67, %mul3A_68 : i32
      %multiple_of3A_70 = tpu.assume_multiple %mul3A_69, 128 : i32
      %dma_start3A_71 = arith.constant 0 : i32
      %dma_start3A_72 = tpu.memref_slice %arg2[%dma_start3A_71, %multiple_of3A_70] : memref<2x6400000xi32, #tpu.memory_space<hbm>> -> memref<2x4096xi32, #tpu.memory_space<hbm>>
      %dma_start3A_73 = arith.constant 0 : i32
      %dma_start3A_74 = tpu.memref_slice %arg2[%dma_start3A_73, %multiple_of3A_70] : memref<2x6400000xi32, #tpu.memory_space<hbm>> -> memref<2x4096xi32, #tpu.memory_space<hbm>>
      tpu.enqueue_dma source(%dma_start3A_74 : memref<2x4096xi32, #tpu.memory_space<hbm>>) target(%arg7 : memref<2x4096xi32, #tpu.memory_space<vmem>>) target_semaphore(%arg11 : memref<!tpu.dma_semaphore, #tpu.memory_space<semaphore_mem>>)
      %dma_start3A_75 = tpu.memref_slice %arg3[%add3A_43] : memref<6400000xf32, #tpu.memory_space<hbm>> -> memref<4000xf32, #tpu.memory_space<hbm>>
      %dma_start3A_76 = tpu.memref_slice %arg3[%add3A_43] : memref<6400000xf32, #tpu.memory_space<hbm>> -> memref<4000xf32, #tpu.memory_space<hbm>>
      tpu.enqueue_dma source(%dma_start3A_76 : memref<4000xf32, #tpu.memory_space<hbm>>) target(%arg8 : memref<4000xf32, #tpu.memory_space<vmem>>) target_semaphore(%arg11 : memref<!tpu.dma_semaphore, #tpu.memory_space<semaphore_mem>>)
      %dma_wait3A = arith.constant 0 : i32
      %dma_wait3A_77 = arith.constant 0 : i32
      %dma_wait3A_78 = tpu.memref_slice %arg2[%dma_wait3A, %dma_wait3A_77] : memref<2x6400000xi32, #tpu.memory_space<hbm>> -> memref<2x4096xi32, #tpu.memory_space<hbm>>
      %dma_wait3A_79 = arith.constant 0 : i32
      %dma_wait3A_80 = arith.constant 0 : i32
      %dma_wait3A_81 = tpu.memref_slice %arg2[%dma_wait3A_79, %dma_wait3A_80] : memref<2x6400000xi32, #tpu.memory_space<hbm>> -> memref<2x4096xi32, #tpu.memory_space<hbm>>
      tpu.wait_dma2 semaphore(%arg10 : memref<!tpu.dma_semaphore, #tpu.memory_space<semaphore_mem>>) src(%dma_wait3A_81 : memref<2x4096xi32, #tpu.memory_space<hbm>>) dst(%arg5 : memref<2x4096xi32, #tpu.memory_space<vmem>>)
      %dma_wait3A_82 = arith.constant 0 : i32
      %dma_wait3A_83 = tpu.memref_slice %arg3[%dma_wait3A_82] : memref<6400000xf32, #tpu.memory_space<hbm>> -> memref<4000xf32, #tpu.memory_space<hbm>>
      %dma_wait3A_84 = arith.constant 0 : i32
      %dma_wait3A_85 = tpu.memref_slice %arg3[%dma_wait3A_84] : memref<6400000xf32, #tpu.memory_space<hbm>> -> memref<4000xf32, #tpu.memory_space<hbm>>
      tpu.wait_dma2 semaphore(%arg10 : memref<!tpu.dma_semaphore, #tpu.memory_space<semaphore_mem>>) src(%dma_wait3A_85 : memref<4000xf32, #tpu.memory_space<hbm>>) dst(%arg6 : memref<4000xf32, #tpu.memory_space<vmem>>)
      %mul3A_86 = arith.constant 4000 : i32
      %mul3A_87 = arith.muli %mul3A_38, %mul3A_86 : i32
      %add3A_88 = arith.addi %mul3A_2, %mul3A_87 : i32
      %jit3A_89 = arith.constant 128 : i32
      %div3A_90 = arith.divsi %add3A_88, %jit3A_89 : i32
      %sign3A_91 = arith.constant 0 : i32
      %sign3A_92 = arith.cmpi sgt, %add3A_88, %sign3A_91 : i32
      %sign3A_93 = arith.extui %sign3A_92 : i1 to i32
      %sign3A_94 = arith.constant 0 : i32
      %sign3A_95 = arith.cmpi slt, %add3A_88, %sign3A_94 : i32
      %sign3A_96 = arith.extui %sign3A_95 : i1 to i32
      %sign3A_97 = arith.subi %sign3A_93, %sign3A_96 : i32
      %sign3A_98 = arith.constant 0 : i32
      %sign3A_99 = arith.cmpi sgt, %jit3A_89, %sign3A_98 : i32
      %sign3A_100 = arith.extui %sign3A_99 : i1 to i32
      %sign3A_101 = arith.constant 0 : i32
      %sign3A_102 = arith.cmpi slt, %jit3A_89, %sign3A_101 : i32
      %sign3A_103 = arith.extui %sign3A_102 : i1 to i32
      %sign3A_104 = arith.subi %sign3A_100, %sign3A_103 : i32
      %ne3A_105 = arith.cmpi ne, %sign3A_97, %sign3A_104 : i32
      %rem3A_106 = arith.remsi %add3A_88, %jit3A_89 : i32
      %ne3A_107 = arith.constant 0 : i32
      %ne3A_108 = arith.cmpi ne, %rem3A_106, %ne3A_107 : i32
      %and3A_109 = arith.andi %ne3A_105, %ne3A_108 : i1
      %sub3A_110 = arith.constant 1 : i32
      %sub3A_111 = arith.subi %div3A_90, %sub3A_110 : i32
      %select_n3A_112 = arith.select %and3A_109, %sub3A_111, %div3A_90 : i32
      %mul3A_113 = arith.constant 128 : i32
      %mul3A_114 = arith.muli %select_n3A_112, %mul3A_113 : i32
      %sub3A_115 = arith.subi %add3A_88, %mul3A_114 : i32
      %parallel_loop3A_116 = arith.constant 0 : i32
      %parallel_loop3A_117 = arith.constant 250 : i32
      %parallel_loop3A_118 = arith.constant 1 : i32
      scf.for %parallel_loop3A_168 = %parallel_loop3A_116 to %parallel_loop3A_117 step %parallel_loop3A_118  : i32 {
        %parallel_loop3A_169 = arith.constant 16 : i32
        %parallel_loop3A_170 = arith.muli %parallel_loop3A_168, %parallel_loop3A_169 : i32
        %parallel_loop3A_171 = arith.addi %sub3A_115, %parallel_loop3A_170 : i32
        %parallel_loop3A_172 = arith.constant 0 : i32
        %parallel_loop3A_173 = arith.index_cast %parallel_loop3A_172 : i32 to index
        %parallel_loop3A_174 = arith.index_cast %parallel_loop3A_171 : i32 to index
        %parallel_loop3A_175 = tpu.vector_load %arg5[%parallel_loop3A_173, %parallel_loop3A_174] {strides = array<i32>} : memref<2x4096xi32, #tpu.memory_space<vmem>>, vector<16xi32>,
        %parallel_loop3A_176 = arith.index_cast %parallel_loop3A_170 : i32 to index
        %parallel_loop3A_177 = tpu.vector_load %arg6[%parallel_loop3A_176] {strides = array<i32>} : memref<4000xf32, #tpu.memory_space<vmem>>, vector<16xf32>,
        tpu.vector_store_idx %arg9[%parallel_loop3A_175], %parallel_loop3A_177 {add = true} : memref<100352xf32, #tpu.memory_space<vmem>>[vector<16xi32>], vector<16xf32>,
      } {sc.loop_unroll_factor = 10 : i64, sc.parallel_access}
      %add3A_119 = arith.constant 2 : i32
      %add3A_120 = arith.addi %mul3A_38, %add3A_119 : i32
      %lt3A = arith.constant 50 : i32
      %lt3A_121 = arith.cmpi slt, %add3A_120, %lt3A : i32
      %convert_element_type3A = arith.extui %lt3A_121 : i1 to i32
      %cond3A = arith.constant 0 : i32
      %cond3A_122 = arith.cmpi ne, %convert_element_type3A, %cond3A : i32
      scf.if %cond3A_122 {
        %add3A_168 = arith.constant 2 : i32
        %add3A_169 = arith.addi %mul3A_38, %add3A_168 : i32
        %mul3A_170 = arith.constant 4000 : i32
        %mul3A_171 = arith.muli %add3A_169, %mul3A_170 : i32
        %add3A_172 = arith.addi %mul3A_2, %mul3A_171 : i32
        %jit3A_173 = arith.constant 128 : i32
        %div3A_174 = arith.divsi %add3A_172, %jit3A_173 : i32
        %sign3A_175 = arith.constant 0 : i32
        %sign3A_176 = arith.cmpi sgt, %add3A_172, %sign3A_175 : i32
        %sign3A_177 = arith.extui %sign3A_176 : i1 to i32
        %sign3A_178 = arith.constant 0 : i32
        %sign3A_179 = arith.cmpi slt, %add3A_172, %sign3A_178 : i32
        %sign3A_180 = arith.extui %sign3A_179 : i1 to i32
        %sign3A_181 = arith.subi %sign3A_177, %sign3A_180 : i32
        %sign3A_182 = arith.constant 0 : i32
        %sign3A_183 = arith.cmpi sgt, %jit3A_173, %sign3A_182 : i32
        %sign3A_184 = arith.extui %sign3A_183 : i1 to i32
        %sign3A_185 = arith.constant 0 : i32
        %sign3A_186 = arith.cmpi slt, %jit3A_173, %sign3A_185 : i32
        %sign3A_187 = arith.extui %sign3A_186 : i1 to i32
        %sign3A_188 = arith.subi %sign3A_184, %sign3A_187 : i32
        %ne3A_189 = arith.cmpi ne, %sign3A_181, %sign3A_188 : i32
        %rem3A_190 = arith.remsi %add3A_172, %jit3A_173 : i32
        %ne3A_191 = arith.constant 0 : i32
        %ne3A_192 = arith.cmpi ne, %rem3A_190, %ne3A_191 : i32
        %and3A_193 = arith.andi %ne3A_189, %ne3A_192 : i1
        %sub3A_194 = arith.constant 1 : i32
        %sub3A_195 = arith.subi %div3A_174, %sub3A_194 : i32
        %select_n3A_196 = arith.select %and3A_193, %sub3A_195, %div3A_174 : i32
        %mul3A_197 = arith.constant 128 : i32
        %mul3A_198 = arith.muli %select_n3A_196, %mul3A_197 : i32
        %multiple_of3A_199 = tpu.assume_multiple %mul3A_198, 128 : i32
        %dma_start3A_200 = arith.constant 0 : i32
        %dma_start3A_201 = tpu.memref_slice %arg2[%dma_start3A_200, %multiple_of3A_199] : memref<2x6400000xi32, #tpu.memory_space<hbm>> -> memref<2x4096xi32, #tpu.memory_space<hbm>>
        %dma_start3A_202 = arith.constant 0 : i32
        %dma_start3A_203 = tpu.memref_slice %arg2[%dma_start3A_202, %multiple_of3A_199] : memref<2x6400000xi32, #tpu.memory_space<hbm>> -> memref<2x4096xi32, #tpu.memory_space<hbm>>
        tpu.enqueue_dma source(%dma_start3A_203 : memref<2x4096xi32, #tpu.memory_space<hbm>>) target(%arg5 : memref<2x4096xi32, #tpu.memory_space<vmem>>) target_semaphore(%arg10 : memref<!tpu.dma_semaphore, #tpu.memory_space<semaphore_mem>>)
        %dma_start3A_204 = tpu.memref_slice %arg3[%add3A_172] : memref<6400000xf32, #tpu.memory_space<hbm>> -> memref<4000xf32, #tpu.memory_space<hbm>>
        %dma_start3A_205 = tpu.memref_slice %arg3[%add3A_172] : memref<6400000xf32, #tpu.memory_space<hbm>> -> memref<4000xf32, #tpu.memory_space<hbm>>
        tpu.enqueue_dma source(%dma_start3A_205 : memref<4000xf32, #tpu.memory_space<hbm>>) target(%arg6 : memref<4000xf32, #tpu.memory_space<vmem>>) target_semaphore(%arg10 : memref<!tpu.dma_semaphore, #tpu.memory_space<semaphore_mem>>)
      } else {
      }
      %dma_wait3A_123 = arith.constant 0 : i32
      %dma_wait3A_124 = arith.constant 0 : i32
      %dma_wait3A_125 = tpu.memref_slice %arg2[%dma_wait3A_123, %dma_wait3A_124] : memref<2x6400000xi32, #tpu.memory_space<hbm>> -> memref<2x4096xi32, #tpu.memory_space<hbm>>
      %dma_wait3A_126 = arith.constant 0 : i32
      %dma_wait3A_127 = arith.constant 0 : i32
      %dma_wait3A_128 = tpu.memref_slice %arg2[%dma_wait3A_126, %dma_wait3A_127] : memref<2x6400000xi32, #tpu.memory_space<hbm>> -> memref<2x4096xi32, #tpu.memory_space<hbm>>
      tpu.wait_dma2 semaphore(%arg11 : memref<!tpu.dma_semaphore, #tpu.memory_space<semaphore_mem>>) src(%dma_wait3A_128 : memref<2x4096xi32, #tpu.memory_space<hbm>>) dst(%arg7 : memref<2x4096xi32, #tpu.memory_space<vmem>>)
      %dma_wait3A_129 = arith.constant 0 : i32
      %dma_wait3A_130 = tpu.memref_slice %arg3[%dma_wait3A_129] : memref<6400000xf32, #tpu.memory_space<hbm>> -> memref<4000xf32, #tpu.memory_space<hbm>>
      %dma_wait3A_131 = arith.constant 0 : i32
      %dma_wait3A_132 = tpu.memref_slice %arg3[%dma_wait3A_131] : memref<6400000xf32, #tpu.memory_space<hbm>> -> memref<4000xf32, #tpu.memory_space<hbm>>
      tpu.wait_dma2 semaphore(%arg11 : memref<!tpu.dma_semaphore, #tpu.memory_space<semaphore_mem>>) src(%dma_wait3A_132 : memref<4000xf32, #tpu.memory_space<hbm>>) dst(%arg8 : memref<4000xf32, #tpu.memory_space<vmem>>)
      %add3A_133 = arith.constant 1 : i32
      %add3A_134 = arith.addi %mul3A_38, %add3A_133 : i32
      %mul3A_135 = arith.constant 4000 : i32
      %mul3A_136 = arith.muli %add3A_134, %mul3A_135 : i32
      %add3A_137 = arith.addi %mul3A_2, %mul3A_136 : i32
      %jit3A_138 = arith.constant 128 : i32
      %div3A_139 = arith.divsi %add3A_137, %jit3A_138 : i32
      %sign3A_140 = arith.constant 0 : i32
      %sign3A_141 = arith.cmpi sgt, %add3A_137, %sign3A_140 : i32
      %sign3A_142 = arith.extui %sign3A_141 : i1 to i32
      %sign3A_143 = arith.constant 0 : i32
      %sign3A_144 = arith.cmpi slt, %add3A_137, %sign3A_143 : i32
      %sign3A_145 = arith.extui %sign3A_144 : i1 to i32
      %sign3A_146 = arith.subi %sign3A_142, %sign3A_145 : i32
      %sign3A_147 = arith.constant 0 : i32
      %sign3A_148 = arith.cmpi sgt, %jit3A_138, %sign3A_147 : i32
      %sign3A_149 = arith.extui %sign3A_148 : i1 to i32
      %sign3A_150 = arith.constant 0 : i32
      %sign3A_151 = arith.cmpi slt, %jit3A_138, %sign3A_150 : i32
      %sign3A_152 = arith.extui %sign3A_151 : i1 to i32
      %sign3A_153 = arith.subi %sign3A_149, %sign3A_152 : i32
      %ne3A_154 = arith.cmpi ne, %sign3A_146, %sign3A_153 : i32
      %rem3A_155 = arith.remsi %add3A_137, %jit3A_138 : i32
      %ne3A_156 = arith.constant 0 : i32
      %ne3A_157 = arith.cmpi ne, %rem3A_155, %ne3A_156 : i32
      %and3A_158 = arith.andi %ne3A_154, %ne3A_157 : i1
      %sub3A_159 = arith.constant 1 : i32
      %sub3A_160 = arith.subi %div3A_139, %sub3A_159 : i32
      %select_n3A_161 = arith.select %and3A_158, %sub3A_160, %div3A_139 : i32
      %mul3A_162 = arith.constant 128 : i32
      %mul3A_163 = arith.muli %select_n3A_161, %mul3A_162 : i32
      %sub3A_164 = arith.subi %add3A_137, %mul3A_163 : i32
      %parallel_loop3A_165 = arith.constant 0 : i32
      %parallel_loop3A_166 = arith.constant 250 : i32
      %parallel_loop3A_167 = arith.constant 1 : i32
      scf.for %parallel_loop3A_168 = %parallel_loop3A_165 to %parallel_loop3A_166 step %parallel_loop3A_167  : i32 {
        %parallel_loop3A_169 = arith.constant 16 : i32
        %parallel_loop3A_170 = arith.muli %parallel_loop3A_168, %parallel_loop3A_169 : i32
        %parallel_loop3A_171 = arith.addi %sub3A_164, %parallel_loop3A_170 : i32
        %parallel_loop3A_172 = arith.constant 0 : i32
        %parallel_loop3A_173 = arith.index_cast %parallel_loop3A_172 : i32 to index
        %parallel_loop3A_174 = arith.index_cast %parallel_loop3A_171 : i32 to index
        %parallel_loop3A_175 = tpu.vector_load %arg7[%parallel_loop3A_173, %parallel_loop3A_174] {strides = array<i32>} : memref<2x4096xi32, #tpu.memory_space<vmem>>, vector<16xi32>,
        %parallel_loop3A_176 = arith.index_cast %parallel_loop3A_170 : i32 to index
        %parallel_loop3A_177 = tpu.vector_load %arg8[%parallel_loop3A_176] {strides = array<i32>} : memref<4000xf32, #tpu.memory_space<vmem>>, vector<16xf32>,
        tpu.vector_store_idx %arg9[%parallel_loop3A_175], %parallel_loop3A_177 {add = true} : memref<100352xf32, #tpu.memory_space<vmem>>[vector<16xi32>], vector<16xf32>,
      } {sc.loop_unroll_factor = 10 : i64, sc.parallel_access}
    }
    %scan3A_35 = arith.constant 25 : i32
    "tpu.region"() ({
      %run_scoped3A = tpu.sem_alloc : memref<!tpu.dma_semaphore, #tpu.memory_space<semaphore_mem>>
      %dma_start3A_36 = arith.constant 0 : i32
      %dma_start3A_37 = tpu.memref_slice %arg4[%add3A, %dma_start3A_36] : memref<32x100352xf32, #tpu.memory_space<hbm>> -> memref<1x100352xf32, #tpu.memory_space<hbm>>
      %dma_start3A_38 = tpu.memref_squeeze %dma_start3A_37 : memref<1x100352xf32, #tpu.memory_space<hbm>> -> memref<100352xf32, #tpu.memory_space<hbm>>
      %dma_start3A_39 = arith.constant 0 : i32
      %dma_start3A_40 = tpu.memref_slice %arg4[%add3A, %dma_start3A_39] : memref<32x100352xf32, #tpu.memory_space<hbm>> -> memref<1x100352xf32, #tpu.memory_space<hbm>>
      %dma_start3A_41 = tpu.memref_squeeze %dma_start3A_40 : memref<1x100352xf32, #tpu.memory_space<hbm>> -> memref<100352xf32, #tpu.memory_space<hbm>>
      tpu.enqueue_dma source(%arg9 : memref<100352xf32, #tpu.memory_space<vmem>>) target(%dma_start3A_41 : memref<100352xf32, #tpu.memory_space<hbm>>) target_semaphore(%run_scoped3A : memref<!tpu.dma_semaphore, #tpu.memory_space<semaphore_mem>>)
      %dma_wait3A = arith.constant 0 : i32
      %dma_wait3A_42 = tpu.memref_slice %arg4[%add3A, %dma_wait3A] : memref<32x100352xf32, #tpu.memory_space<hbm>> -> memref<1x100352xf32, #tpu.memory_space<hbm>>
      %dma_wait3A_43 = tpu.memref_squeeze %dma_wait3A_42 : memref<1x100352xf32, #tpu.memory_space<hbm>> -> memref<100352xf32, #tpu.memory_space<hbm>>
      %dma_wait3A_44 = arith.constant 0 : i32
      %dma_wait3A_45 = tpu.memref_slice %arg4[%add3A, %dma_wait3A_44] : memref<32x100352xf32, #tpu.memory_space<hbm>> -> memref<1x100352xf32, #tpu.memory_space<hbm>>
      %dma_wait3A_46 = tpu.memref_squeeze %dma_wait3A_45 : memref<1x100352xf32, #tpu.memory_space<hbm>> -> memref<100352xf32, #tpu.memory_space<hbm>>
      tpu.wait_dma2 semaphore(%run_scoped3A : memref<!tpu.dma_semaphore, #tpu.memory_space<semaphore_mem>>) src(%arg9 : memref<100352xf32, #tpu.memory_space<vmem>>) dst(%dma_wait3A_46 : memref<100352xf32, #tpu.memory_space<hbm>>)
      tpu.yield
    }) : () -> ()
    return
  }
}

module attributes {stable_mosaic.version = 14 : i64} {
  func.func @_tc_reduce_kernel(%arg0: i32, %arg1: memref<32x14336xf32, #tpu.memory_space<vmem>>, %arg2: memref<14336xf32, #tpu.memory_space<vmem>>) attributes {dimension_semantics = [#tpu.dimension_semantics<arbitrary>], iteration_bounds = array<i64: 7>, scalar_prefetch = 0 : i64, scratch_operands = 0 : i64, tpu.core_type = #tpu.core_type<tc>, window_params = [{transform_indices = @transform_0, window_bounds = array<i64: 32, 14336>}, {transform_indices = @transform_1, window_bounds = array<i64: 14336>}]} {
    %get3A = arith.constant 0 : index
    %get3A_0 = arith.constant 0 : index
    %get3A_1 = vector.load %arg1[%get3A, %get3A_0] : memref<32x14336xf32, #tpu.memory_space<vmem>>, vector<32x14336xf32>
    %reduce_sum3A = arith.constant dense<0.000000e+00> : vector<14336xf32>
    %reduce_sum3A_2 = vector.multi_reduction <add>, %get3A_1, %reduce_sum3A [0] : vector<32x14336xf32> to vector<14336xf32>
    %mul3A = arith.constant 1.250000e-01 : f32
    %mul3A_3 = vector.broadcast %mul3A : f32 to vector<14336xf32>
    %mul3A_4 = arith.mulf %reduce_sum3A_2, %mul3A_3 : vector<14336xf32>
    %swap3A = arith.constant 0 : index
    %swap3A_5 = vector.load %arg2[%swap3A] : memref<14336xf32, #tpu.memory_space<vmem>>, vector<14336xf32>
    tpu.vector_store %arg2[%swap3A], %mul3A_4 {strides = array<i32>} : memref<14336xf32, #tpu.memory_space<vmem>>, vector<14336xf32>,
    return
  }
  func.func @transform_0(%arg0: i32) -> (i32, i32) {
    %c0_i32 = arith.constant 0 : i32
    %c0_i32_0 = arith.constant 0 : i32
    return %c0_i32, %arg0 : i32, i32
  }
  func.func @transform_1(%arg0: i32) -> i32 {
    %c0_i32 = arith.constant 0 : i32
    return %arg0 : i32
  }
}

</mosaic_0001>

<sc_bundles>
// kernel: kernel.4.cloned.1.call-start
scs
__scs_entry_jumppad:
0x0: {  	(pc) =	sbr.rel $0x88, $3  }
0x1: {  	(tag) =	ssettag $0x0;
	lr =	simm.s32 $0x1  }
0x2: {  	[smem:$0x3F9F] =	sst lr;
	_ =	strace $0xD0000000  }
0x3: {  	_ = 	snop  }
0x4: {  	_ = 	snop  }
0x5: {  	_ = 	snop  }
0x6: {  	_ = 	snop  }
0x7: {  	_ = 	snop  }
__scs_overlays_trampoline_lowered:
0x8: {  	[smem:$0x3FAE] =	sst s0  }
0x9: {  	[smem:$0x3FAF] =	sst s1  }
0xa: {  	[smem:$0x3FB0] =	sst s2  }
0xb: {  	[smem:$0x3FB1] =	sst s3  }
0xc: {  	[smem:$0x3FB2] =	sst s4  }
0xd: {  	[smem:$0x3FB3] =	sst s5  }
0xe: {  	[smem:$0x3FB4] =	sst s6  }
0xf: {  	[smem:$0x3FB5] =	sst s7  }
0x10: {  	[smem:$0x3FB6] =	sst s8  }
0x11: {  	[smem:$0x3FB7] =	sst s9;
	s0 =	simm.s32 @!p0 $0x0  }
0x12: {  	s1 =	sld [smem:$0x3F9D];
	s0 =	simm.s32 @p0 $0x1  }
0x13: {  	[smem:$0x3FB8] =	sst s0;
	s0 =	simm.s32 @!p1 $0x0  }
0x14: {  	s2 =	sld [smem:$0x3F9C];
	s0 =	simm.s32 @p1 $0x1  }
0x15: {  	[smem:$0x3FB9] =	sst s0;
	s0 =	simm.s32 @!p2 $0x0  }
0x16: {  	s3 =	sld [smem:$0x3FDB];
	s0 =	simm.s32 @p2 $0x1  }
0x17: {  	s4 =	simm.s32 $0x1BF5;
	[smem:$0x3FBB] =	sst s0  }
0x18: {  	s0 =	sld [smem:$0x3F9E];
	_ =	swait.ge [sflag:s4], $0x0  }
0x19: {  	s7 =	sld [smem:$0x3F9F]  }
0x1a: {  	s8 =	sadd.s32 $0xFFFFE003, lr  }
0x1b: {  	s9 =	sadd.s32 $0xFFFFFEF7, lr;
	s5 =	simm.s32 $0xFFFFFFFF;
	p2 =	slt.u32 s8, $0xFFFFF086  }
0x1c: {  	p1 =	slt.u32 s9, $0xF7A;
	s5 =	simm.s32 @!p2 $0x0  }
0x1d: {  	s5 =	simm.s32 @p1 $0x1;
	p0 =	seq.s32 s7, s2  }
0x1e: {  	s7 =	smul.u32 @!p0 $0xF7A, s2;
	p2 =	seq.s32 @!p0 s5, $0x0  }
0x1f: {  	s9 =	smul.u32 $0xF7A, s1;
	s8 =	simm.s32 @!p0 $0x1BF5;
	p2 =	por !p2, p0  }
0x20: {  	[sflag:s8] =	ssyncset.s32 @!p0 $0xFFFFF086;
	s6 =	sadd.s32 @!p0 s3, s7;
	s7 =	simm.s32 @!p0 $0x108  }
0x21: {  	s3 =	sadd.s32 s3, s9;
	s6 =	sadd.s32 @!p0 $0x88, s6;
	s7 =	simm.s32 @p2 $0x1082  }
0x22: {  	[simem:s7], [sflag:s8] =	dma.local @!p0 [hbm:s6], $0xF7A  }
0x23: {  	s9 =	sor.u32 $0xD0000000, s2;
	s6 =	simm.s32 $0x108;
	_ =	swait.ge @!p0 [sflag:s8], $0x0  }
0x24: {  	s3 =	sadd.s32 $0x88, s3;
	s6 =	simm.s32 @!p1 $0x1082;
	[sflag:s4] =	ssyncset.s32 $0xFFFFF086  }
0x25: {  	[simem:s6], [sflag:s4] =	dma.local [hbm:s3], $0xF7A  }
0x26: {  	[smem:$0x3F9F] =	sst s1;
	(tag) =	ssettag s2;
	_ =	strace s9  }
0x27: {  	s1 =	sld [smem:$0x3FAF]  }
0x28: {  	s2 =	sld [smem:$0x3FB0]  }
0x29: {  	s4 =	sld [smem:$0x3FB2]  }
0x2a: {  	p0 =	seq.s32 s5, $0x0;
	s5 =	sld [smem:$0x3FB3]  }
0x2b: {  	s6 =	sld [smem:$0x3FB4]  }
0x2c: {  	s7 =	sld [smem:$0x3FB5]  }
0x2d: {  	s3 =	simm.s32 $0x108;
	s8 =	sld [smem:$0x3FB6]  }
0x2e: {  	s3 =	simm.s32 @!p0 $0x1082;
	s9 =	sld [smem:$0x3FB7]  }
0x2f: {  	lr =	sadd.s32 s0, s3;
	s0 =	sld [smem:$0x3FAE]  }
0x30: {  	s3 =	sld [smem:$0x3FB1]  }
0x31: {  	[smem:$0x3FBA] =	sst s10  }
0x32: {  	s10 =	sld [smem:$0x3FB8];
	_ =	sdelay $0x3  }
0x33: {  	p0 =	seq.s32 s10, $0x1;
	s10 =	sld [smem:$0x3FBA];
	_ =	sdelay $0x3  }
0x34: {  	[smem:$0x3FBA] =	sst s10  }
0x35: {  	s10 =	sld [smem:$0x3FB9];
	_ =	sdelay $0x3  }
0x36: {  	p1 =	seq.s32 s10, $0x1;
	s10 =	sld [smem:$0x3FBA];
	_ =	sdelay $0x3  }
0x37: {  	[smem:$0x3FBA] =	sst s10  }
0x38: {  	s10 =	sld [smem:$0x3FBB]  }
0x39: {  	_ = 	snop;
	(pc) =	sbr.ind lr, $3  }
0x3a: {  	_ = 	snop  }
0x3b: {  	_ = 	snop  }
0x3c: {  	p2 =	seq.s32 s10, $0x1;
	s10 =	sld [smem:$0x3FBA]  }
0x3d: {  	_ =	shalt  }
0x3e: {  	_ =	shalt  }
0x3f: {  	_ =	shalt  }
0x40: {  	_ =	shalt  }
0x41: {  	_ =	shalt  }
0x42: {  	_ =	shalt  }
0x43: {  	_ =	shalt  }
0x44: {  	_ =	shalt  }
0x45: {  	_ =	shalt  }
0x46: {  	_ =	shalt  }
0x47: {  	_ =	shalt  }
0x48: {  	_ =	shalt  }
0x49: {  	_ =	shalt  }
0x4a: {  	_ =	shalt  }
0x4b: {  	_ =	shalt  }
0x4c: {  	_ =	shalt  }
0x4d: {  	_ =	shalt  }
0x4e: {  	_ =	shalt  }
0x4f: {  	_ =	shalt  }
0x50: {  	_ =	shalt  }
0x51: {  	_ =	shalt  }
0x52: {  	_ =	shalt  }
0x53: {  	_ =	shalt  }
0x54: {  	_ =	shalt  }
0x55: {  	_ =	shalt  }
0x56: {  	_ =	shalt  }
0x57: {  	_ =	shalt  }
0x58: {  	_ =	shalt  }
0x59: {  	_ =	shalt  }
0x5a: {  	_ =	shalt  }
0x5b: {  	_ =	shalt  }
0x5c: {  	_ =	shalt  }
0x5d: {  	_ =	shalt  }
0x5e: {  	_ =	shalt  }
0x5f: {  	_ =	shalt  }
0x60: {  	_ =	shalt  }
0x61: {  	_ =	shalt  }
0x62: {  	_ =	shalt  }
0x63: {  	_ =	shalt  }
0x64: {  	_ =	shalt  }
0x65: {  	_ =	shalt  }
0x66: {  	_ =	shalt  }
0x67: {  	_ =	shalt  }
0x68: {  	_ =	shalt  }
0x69: {  	_ =	shalt  }
0x6a: {  	_ =	shalt  }
0x6b: {  	_ =	shalt  }
0x6c: {  	_ =	shalt  }
0x6d: {  	_ =	shalt  }
0x6e: {  	_ =	shalt  }
0x6f: {  	_ =	shalt  }
0x70: {  	_ =	shalt  }
0x71: {  	_ =	shalt  }
0x72: {  	_ =	shalt  }
0x73: {  	_ =	shalt  }
0x74: {  	_ =	shalt  }
0x75: {  	_ =	shalt  }
0x76: {  	_ =	shalt  }
0x77: {  	_ =	shalt  }
0x78: {  	_ =	shalt  }
0x79: {  	_ =	shalt  }
0x7a: {  	_ =	shalt  }
0x7b: {  	_ =	shalt  }
0x7c: {  	_ =	shalt  }
0x7d: {  	_ =	shalt  }
0x7e: {  	_ =	shalt  }
0x7f: {  	_ =	shalt  }
0x80: {  	_ =	shalt  }
0x81: {  	_ =	shalt  }
0x82: {  	_ =	shalt  }
0x83: {  	_ =	shalt  }
0x84: {  	_ =	shalt  }
0x85: {  	_ =	shalt  }
0x86: {  	_ =	shalt  }
0x87: {  	_ =	shalt  }
.Lfunc_end0:
.L_simem_size_0:
called_computation_lowered:
.L_overlay_start_0:
0x88: {  	s2 =	sld [smem:$0x3FD9]  }
0x89: {  	s3 =	sld [smem:$0x3FFE];
	_ =	sdelay $0x1  }
0x8a: {  	s1 =	srdreg.scid  }
0x8b: {  	s0 =	sand.u32 $0x1, s1  }
0x8c: {  	s17 =	sshll.u32 s0, $0xA;
	s2 =	sadd.s32 s3, s2  }
0x8d: {  	s2 =	sadd.s32 s2, s17  }
0x8e: {  	[smem:$0x3FC6] =	sst s2  }
0x8f: {  	_ = 	snop  }
0x90: {  	s2 =	sld [smem:$0x3FC9]  }
0x91: {  	s18 =	sld [smem:$0x3FC8];
	(tm) =	ssettm $0x1  }
0x92: {  	s4 =	sld [smem:$0x3FFB];
	_ =	sdelay $0x3  }
0x93: {  	_ =	strace s4  }
0x94: {  	s4 =	sld [smem:$0x3FFC];
	_ =	sdelay $0x3  }
0x95: {  	_ =	strace s4  }
0x96: {  	s4 =	sld [smem:$0x3FFD];
	_ =	sdelay $0x3  }
0x97: {  	_ =	strace s4  }
0x98: {  	_ =	strace $0x8FFFFFFF  }
0x99: {  	s19 =	sld [smem:$0x3FDB];
	_ =	sdelay $0x1  }
0x9a: {  	s5 =	simm.s32 $_scs_section_size  }
0x9b: {  	s6 =	simm.s32 $_size__tile_overlayer_lowered;
	s7 =	simm.s32 $_tile_overlayer_lowered  }
0x9c: {  	s22 =	simm.s32 $0x1BFF;
	s21 =	sshll.u32 s7, $0x1;
	s4 =	sadd.s32 s5, s19  }
0x9d: {  	s8 =	simm.s32 $0x0;
	s20 =	sshll.u32 s6, $0x1;
	s6 =	sadd.s32 s21, s4  }
0x9e: {  	[timem:s8], [sflag:s22] =	dma.local [hbm:s6], s20  }
0x9f: {  	_ =	swait.ge [sflag:s22], s20  }
0xa0: {  	s5 =	ssub.s32 $0x0, s20;
	[sflag:s22] =	ssyncset.done $0x0  }
0xa1: {  	[sflag:s22] =	ssyncadd.s32 s5;
	_ =	sdelay $0x1  }
0xa2: {  	s23 =	simm.s32 $0x1B8B  }
0xa3: {  	_ =	swait.ge [sflag:s23], $0x1  }
0xa4: {  	[sflag:s23] =	ssyncset.done $0x0  }
0xa5: {  	s25 =	simm.s32 $0x1B8E;
	s24 =	sld [smem:$0x3FFE];
	[sflag:s23] =	ssyncadd.s32 $0xFFFFFFFF  }
0xa6: {  	s26 =	simm.s32 $execute0_lowered;
	[smem:$0x3FD2] =	sst s25  }
0xa7: {  	s6 =	sshll.u32 s26, $0x1;
	_ =	strace $0x80000046;
	[dreg:$0x1] =	wrdreg $0xFFFFFFFF  }
0xa8: {  	s28 =	simm.s32 $_size_execute0_lowered;
	s4 =	sadd.s32 s4, s6;
	[dreg:$0x0] =	wrdreg $0x0  }
0xa9: {  	s6 =	sshll.u32 s28, $0x1;
	[dreg:$0x2] =	wrdreg s4  }
0xaa: {  	[dreg:$0x3] =	wrdreg s6  }
0xab: {  	[dreg:$0x4] =	wrdreg $0xC0  }
0xac: {  	_ =	task [dreg:s8], $0x5FFFF  }
0xad: {  	[dreg:$0x1] =	wrdreg $0xFFFFFFFF  }
0xae: {  	[dreg:$0x0] =	wrdreg $0x60  }
0xaf: {  	[dreg:$0x2] =	wrdreg s18  }
0xb0: {  	[dreg:$0x3] =	wrdreg s2  }
0xb1: {  	[dreg:$0x4] =	wrdreg s24  }
0xb2: {  	[dreg:$0x5] =	wrdreg $0x9  }
0xb3: {  	_ =	task.clear_ibuf [dreg:s8], $0x6FFFF;
	_ =	strace $0x90000046  }
0xb4: {  	s29 =	simm.s32 $0x9;
	_ =	strace $0x80000048  }
0xb5: {  	_ =	swait.ge [sflag:s29], $0x1  }
0xb6: {  	[sflag:s29] =	ssyncadd.s32 $0xFFFFFFFF  }
0xb7: {  	_ =	strace $0x90000048  }
0xb8: {  	_ =	sfence  }
0xb9: {  	s30 =	sld [smem:$0x0];
	_ =	sdelay $0x2  }
0xba: {  	s31 =	sshll.u32 s1, $0xD;
	s1 =	sshrl.u32 s1, $0x2  }
0xbb: {  	s3 =	sand.u32 $0x4000, s31;
	s1 =	sadd.s32 s1, s30  }
0xbc: {  	s0 =	sor.u32 s3, s0;
	s1 =	sshll.u32 s1, $0x11  }
0xbd: {  	s0 =	sor.u32 s1, s0  }
0xbe: {  	s0 =	sadd.s32 $0x8F2B, s0  }
0xbf: {  	[sflag:s0] =	ssyncadd.remote.s32 $0x1  }
0xc0: {  	_ =	sfence.sel $0xFFFF  }
0xc1: {  	[dreg:$0x0] =	wrdreg $0xFFFFFFFF;
	(pc) =	sbr.abs _section_cstart, $3  }
0xc2: {  	[dreg:$0x1] =	wrdreg $0xFFFFFFFF  }
0xc3: {  	_ =	task.clear_ibuf [dreg:s8], $0x2FFFF;
	_ =	strace $0x9FFFFFFF  }
0xc4: {  	(tm) =	ssettm $0x7FFFFFFF  }
0xc5: {  	_ =	shalt  }
tec
execute0_lowered:
.L_overlay_start_1:
0x0: {  	(tag) =	ssettag $0x1  }
0x1: {  	s30 =	rddreg [dreg:$0x0]  }
0x2: {  	s0 =	srdreg.scid;
	s31 =	rddreg [dreg:$0x1]  }
0x3: {  	s1 =	stileid.u32;
	s6 =	rddreg [dreg:$0x2];
	s3 =	simm.s32 $0x0  }
0x4: {  	s0 =	sand.u32 $0x1, s0;
	s4 =	sshrl.u32 s1, $0x2;
	s8 =	smul.u32 $0x61A80, s1  }
0x5: {  	s2 =	sshll.u32 s1, $0x1;
	[smem:$0x7FF] =	sst s3;
	s5 =	smul.u32 $0xC4000, s4  }
0x6: {  	s2 =	sor.u32 s0, s2;
	s18 =	ssub.s32 $0x2, s0;
	s0 =	smul.u32 $0x30D40, s0  }
0x7: {  	s17 =	sshll.u32 s2, $0x7;
	s2 =	smul.u32 $0x30D40, s2;
	s20 =	sshrl.u32 s18, $0x1  }
0x8: {  	_ =	strace $0x80000047;
	s7 =	sand.u32 $0x380, s17;
	s10 =	ssub.s32 s18, s20  }
0x9: {  	s0 =	sadd.s32 s0, s8;
	s5 =	sor.u32 s5, s7;
	s19 =	sshrl.u32 s2, $0x2  }
0xa: {  	s22 =	sshrl.u32 s2, $0x3;
	s24 =	sadd.s32 $0xFA0, s2;
	s25 =	sadd.s32 $0x1F40, s2  }
0xb: {  	s28 =	sshrl.u32 s0, $0x6;
	s29 =	smax.u32 s10, $0x1;
	[dreg:$0x8] =	wrdreg s24  }
0xc: {  	s0 =	sadd.s32 $0xFA0, s0;
	s5 =	sshrl.u32 s5, $0x3;
	[dreg:$0x9] =	wrdreg s25  }
0xd: {  	s23 =	sadd.s32 s31, s22;
	[dreg:$0xb] =	wrdreg s29;
	s0 =	sshrl.u32 s0, $0x5  }
0xe: {  	s9 =	sadd.s32 s5, s6;
	s6 =	sand.u32 $0x1FFFE0, s19;
	[dreg:$0x7] =	wrdreg s23  }
0xf: {  	s16 =	simm.s32 $0x6000;
	[dreg:$0xc] =	wrdreg s0;
	s21 =	sadd.s32 s30, s6  }
0x10: {  	s2 =	sand.u32 $0x1, s28;
	s26 =	sadd.s32 $0x600, s9;
	[dreg:$0x6] =	wrdreg s21  }
0x11: {  	v0 =	vimm.f32 $0.0e+00;
	p0 =	seq.s32 s2, $0x1;
	s2 =	simm.s32 $0x0;
	[dreg:$0xa] =	wrdreg s26  }
.LBB2_1:
0x12: {  	s0 =	simm.s32 $0x0;
	s1 =	rddreg [dreg:$0x6]  }
0x13: {  	[tilespmem:s0], [sflag:$0x1] =	stream.linear.gather [hbm4b:s1+s0], $0x2000, $0x38;
	[tilespmem:$0x1E800] =	vst v63  }
0x14: {  	s28 =	rddreg [dreg:$0x7];
	s29 =	simm.s32 $0x2000  }
0x15: {  	[tilespmem:s29], [sflag:$0x1] =	stream.linear.gather [hbm4b:s28+s0], $0xFA0, $0x38;
	[tilespmem:$0x1E800] =	vst v63  }
0x16: {  	[dreg:$0xd] =	wrdreg s2;
	s0 =	simm.s32 $0x6040  }
0x17: {  	[tilespmem:s0+$0xFFFFFFC0] =	vst v0  }
0x18: {  	[tilespmem:s0+$0x30] =	vst v0  }
0x19: {  	[tilespmem:s0+$0x20] =	vst v0  }
0x1a: {  	[tilespmem:s0+$0x10] =	vst v0  }
0x1b: {  	[tilespmem:s0+$0x0] =	vst v0  }
0x1c: {  	[tilespmem:s0+$0xFFFFFFF0] =	vst v0  }
0x1d: {  	s2 =	simm.s32 $0x0;
	[tilespmem:s0+$0xFFFFFFE0] =	vst v0  }
.LBB2_2:
0x1e: {  	s2 =	sadd.s32 $0x8, s2;
	[tilespmem:s0+$0xFFFFFFD0] =	vst v0;
	s0 =	sadd.s32 $0x80, s0  }
0x1f: {  	[tilespmem:s0+$0xFFFFFFC0] =	vst v0;
	p1 =	slt.u32 s2, $0x1878  }
0x20: {  	[tilespmem:s0+$0x30] =	vst v0  }
.Ltmp0:
0x21: {  	[tilespmem:s0+$0x20] =	vst v0;
	(pc) =	sbr.rel @p1 .LBB2_2-.Ltmp0, $4  }
0x22: {  	[tilespmem:s0+$0x10] =	vst v0  }
0x23: {  	[tilespmem:s0+$0x0] =	vst v0  }
0x24: {  	[tilespmem:s0+$0xFFFFFFF0] =	vst v0  }
0x25: {  	[tilespmem:s0+$0xFFFFFFE0] =	vst v0  }
0x26: {  	[tilespmem:s0+$0xFFFFFFD0] =	vst v0  }
0x27: {  	p1 =	por p0, p0;
	s24 =	simm.s32 $0x0;
	s23 =	rddreg [dreg:$0xc]  }
.LBB2_4:
0x28: {  	s26 =	smul.u32 $0x1F40, s24  }
0x29: {  	s0 =	rddreg [dreg:$0x8]  }
0x2a: {  	s25 =	sand.u32 $0x3, s23;
	s0 =	sadd.s32 s26, s0  }
0x2b: {  	s28 =	simm.s32 $0x1;
	s1 =	simm.s32 $0x3000;
	s2 =	sshrl.u32 s0, $0x2  }
0x2c: {  	s3 =	simm.s32 $0x0;
	s4 =	simm.s32 $0x1;
	s2 =	sand.u32 $0x1FFFFFE0, s2  }
0x2d: {  	s29 =	sshll.u32 s25, $0x5;
	s28 =	simm.s32 @!p1 $0x0;
	s2 =	sadd.s32 s30, s2  }
0x2e: {  	[tilespmem:s1], [sflag:$0x2] =	stream.linear.gather [hbm4b:s2+s3], $0x2000, $0x38;
	[tilespmem:$0x1E800] =	vst v63  }
0x2f: {  	[dreg:$0x5] =	wrdreg s29;
	s0 =	sshrl.u32 s0, $0x3;
	s1 =	sshll.u32 s28, $0x6  }
0x30: {  	s0 =	sadd.s32 s31, s0;
	s2 =	simm.s32 $0x5000;
	[dreg:$0x4] =	wrdreg s1  }
0x31: {  	[tilespmem:s2], [sflag:$0x2] =	stream.linear.gather [hbm4b:s0+s3], $0xFA0, $0x38;
	[tilespmem:$0x1E800] =	vst v63  }
0x32: {  	_ =	swait.ge [sflag:s4], $0x2000  }
0x33: {  	[sflag:s4] =	ssyncset.done $0x0  }
0x34: {  	[sflag:s4] =	ssyncadd.s32 $0xFFFFE000  }
0x35: {  	_ =	swait.ge [sflag:s4], $0xFA0  }
0x36: {  	s5 =	rddreg [dreg:$0x4]  }
0x37: {  	s6 =	sshll.u32 s28, $0x7;
	s0 =	sadd.s32 $0x0, s5  }
0x38: {  	s28 =	sor.u32 $0x120, s6;
	s7 =	sadd.s32 $0x90, s0  }
0x39: {  	s29 =	sand.u32 $0x7F00, s28;
	[sflag:s4] =	ssyncset.done $0x0;
	s2 =	sand.u32 $0x70, s7  }
0x3a: {  	[sflag:s4] =	ssyncadd.s32 $0xFFFFF060;
	s2 =	sor.u32 s2, s29  }
0x3b: {  	s29 =	simm.s32 $0x2050;
	v6 =	vld [tilespmem:s2+$0x0]  }
0x3c: {  	s13 =	smov.u32 s30;
	v8 =	vld [tilespmem:s29+$0x40]  }
0x3d: {  	s17 =	smov.u32 s31;
	s18 =	sadd.s32 $0xFFFFFF20, s28;
	s31 =	sadd.s32 $0x20, s0;
	v1 =	vld [tilespmem:s29+$0xFFFFFFB0]  }
0x3e: {  	s8 =	sadd.s32 $0xFFFFFF00, s28;
	s18 =	sand.u32 $0x7F00, s18;
	s31 =	sand.u32 $0x60, s31;
	v2 =	vld [tilespmem:s29+$0xFFFFFFC0]  }
0x3f: {  	s11 =	sadd.s32 $0xFFFFFFA0, s28;
	s30 =	sadd.s32 $0x10, s0;
	s18 =	sor.u32 s31, s18;
	v3 =	vld [tilespmem:s29+$0xFFFFFFD0]  }
0x40: {  	s12 =	sadd.s32 $0x30, s0;
	s30 =	sand.u32 $0x70, s30;
	s2 =	sand.u32 $0x3F00, s8;
	v7 =	vld [tilespmem:s18+$0x0]  }
0x41: {  	s9 =	sadd.s32 $0x50, s0;
	v4 =	vld [tilespmem:s29+$0xFFFFFFE0];
	s2 =	sor.u32 s30, s2;
	s30 =	sadd.s32 $0xFFFFFF40, s28  }
0x42: {  	s10 =	sadd.s32 $0x60, s0;
	s12 =	sand.u32 $0x70, s12;
	v12 =	vld [tilespmem:s29+$0x10];
	s30 =	sand.u32 $0x7F00, s30  }
0x43: {  	s31 =	sadd.s32 $0x40, s0;
	v18 =	vld [tilespmem:s29+$0x20];
	s12 =	sor.u32 s12, s30;
	s30 =	sadd.s32 $0xFFFFFF60, s28  }
0x44: {  	s31 =	sand.u32 $0x60, s31;
	s18 =	sand.u32 $0x60, s10;
	v5 =	vld [tilespmem:s2+$0x0];
	s30 =	sand.u32 $0x7F00, s30  }
0x45: {  	v10 =	vld [tilespmem:s12+$0x0];
	s12 =	sand.u32 $0x7F00, s11;
	s30 =	sor.u32 s31, s30;
	s31 =	sadd.s32 $0xFFFFFF80, s28  }
0x46: {  	s2 =	sand.u32 $0x70, s9;
	s12 =	sor.u32 s18, s12;
	s31 =	sand.u32 $0x7F00, s31;
	v14 =	vld [tilespmem:s30+$0x0]  }
0x47: {  	v11 =	vld [tilespmem:s12+$0x0];
	s2 =	sor.u32 s2, s31  }
0x48: {  	s19 =	sadd.s32 $0xFFFFFFE0, s28;
	s14 =	sadd.s32 $0x70, s0;
	s15 =	sadd.s32 $0x80, s0;
	v13 =	vld [tilespmem:s2+$0x0]  }
0x49: {  	s18 =	sand.u32 $0x60, s15;
	s30 =	sadd.s32 $0xFFFFFFC0, s28;
	s12 =	sand.u32 $0x7F00, s19;
	[tilespmem:v6+s16+$0x0] =	vst.idx.add.f32.msk $0xffff, v8  }
0x4a: {  	s30 =	sand.u32 $0x7F00, s30;
	s12 =	sor.u32 s18, s12;
	s2 =	sand.u32 $0x70, s14;
	v6 =	vld [tilespmem:s29+$0xFFFFFFF0]  }
0x4b: {  	s20 =	sadd.s32 $0xFFFFFEE0, s28;
	v9 =	vld [tilespmem:s12+$0x0];
	s2 =	sor.u32 s2, s30  }
0x4c: {  	s21 =	simm.s32 $0x80;
	s0 =	sand.u32 $0x60, s0;
	v16 =	vld [tilespmem:s2+$0x0];
	s2 =	sand.u32 $0x3F00, s20  }
0x4d: {  	s22 =	sand.u32 $0x60, s3;
	v8 =	vld [tilespmem:s29+$0x0];
	s12 =	sand.u32 $0x1F80, s21;
	s0 =	sor.u32 s0, s2  }
0x4e: {  	s25 =	sshll.u32 s25, $0x6;
	s2 =	sor.u32 s22, s12;
	v15 =	vld [tilespmem:s0+$0x0]  }
0x4f: {  	s25 =	sor.u32 $0x120, s25;
	s31 =	simm.s32 $0x0;
	s30 =	simm.s32 $0x0;
	v17 =	vld [tilespmem:s2+$0x2000]  }
.LBB2_5:
0x50: {  	_ =	sdelay $0x6  }
0x51: {  	[tilespmem:v5+s16+$0x0] =	vst.idx.add.f32.msk $0xffff, v2  }
0x52: {  	[tilespmem:v7+s16+$0x0] =	vst.idx.add.f32.msk $0xffff, v3  }
0x53: {  	[tilespmem:v10+s16+$0x0] =	vst.idx.add.f32.msk $0xffff, v4  }
0x54: {  	[tilespmem:v14+s16+$0x0] =	vst.idx.add.f32.msk $0xffff, v6  }
0x55: {  	[tilespmem:v13+s16+$0x0] =	vst.idx.add.f32.msk $0xffff, v8  }
0x56: {  	s0 =	rddreg [dreg:$0x4];
	s31 =	sadd.s32 $0xA0, s31;
	[tilespmem:v11+s16+$0x0] =	vst.idx.add.f32.msk $0xffff, v12  }
0x57: {  	s30 =	sadd.s32 $0xA, s30;
	s12 =	sadd.s32 s31, s0;
	[tilespmem:v16+s16+$0x0] =	vst.idx.add.f32.msk $0xffff, v18  }
0x58: {  	s28 =	sadd.s32 $0x140, s28;
	s29 =	sadd.s32 $0xA0, s29;
	s19 =	sadd.s32 $0x90, s12;
	[tilespmem:v9+s16+$0x0] =	vst.idx.add.f32.msk $0xffff, v17  }
0x59: {  	p2 =	slt.u32 s30, $0xF0;
	s5 =	sand.u32 $0x7F00, s28;
	s19 =	sand.u32 $0x70, s19;
	[tilespmem:v15+s16+$0x0] =	vst.idx.add.f32.msk $0xffff, v1  }
0x5a: {  	s0 =	sadd.s32 $0x80, s31;
	s20 =	sadd.s32 $0xFFFFFF00, s28;
	s5 =	sor.u32 s19, s5;
	v6 =	vld [tilespmem:s29+$0x40]  }
0x5b: {  	s14 =	sadd.s32 $0xFFFFFF20, s28;
	s15 =	sadd.s32 $0xFFFFFF40, s28;
	s1 =	sadd.s32 $0xFFFFFF60, s28;
	v5 =	vld [tilespmem:s5+$0x0]  }
0x5c: {  	s7 =	sadd.s32 $0xFFFFFFA0, s28;
	s8 =	sadd.s32 $0xFFFFFFC0, s28;
	s22 =	sadd.s32 $0xFFFFFFE0, s28;
	v1 =	vld [tilespmem:s29+$0xFFFFFFB0]  }
0x5d: {  	s18 =	sadd.s32 $0x10, s12;
	s4 =	sadd.s32 $0x20, s12;
	s6 =	sadd.s32 $0x30, s12;
	v2 =	vld [tilespmem:s29+$0xFFFFFFC0]  }
0x5e: {  	s9 =	sadd.s32 $0x40, s12;
	s10 =	sadd.s32 $0x60, s12;
	s11 =	sadd.s32 $0x70, s12;
	v3 =	vld [tilespmem:s29+$0xFFFFFFD0]  }
0x5f: {  	s21 =	sadd.s32 $0x80, s12;
	s20 =	sand.u32 $0x3F00, s20;
	s14 =	sand.u32 $0x7F00, s14;
	v4 =	vld [tilespmem:s29+$0xFFFFFFE0]  }
0x60: {  	s15 =	sand.u32 $0x7F00, s15;
	s1 =	sand.u32 $0x7F00, s1;
	s4 =	sand.u32 $0x60, s4;
	v8 =	vld [tilespmem:s29+$0x0]  }
0x61: {  	s7 =	sand.u32 $0x7F00, s7;
	s6 =	sand.u32 $0x70, s6;
	s4 =	sor.u32 s4, s14;
	v12 =	vld [tilespmem:s29+$0x10]  }
0x62: {  	s8 =	sand.u32 $0x7F00, s8;
	s9 =	sand.u32 $0x60, s9;
	s6 =	sor.u32 s6, s15;
	v7 =	vld [tilespmem:s4+$0x0]  }
0x63: {  	s22 =	sand.u32 $0x7F00, s22;
	s10 =	sand.u32 $0x60, s10;
	s1 =	sor.u32 s9, s1;
	v10 =	vld [tilespmem:s6+$0x0]  }
0x64: {  	s18 =	sand.u32 $0x70, s18;
	s11 =	sand.u32 $0x70, s11;
	s7 =	sor.u32 s10, s7;
	v14 =	vld [tilespmem:s1+$0x0]  }
0x65: {  	s21 =	sand.u32 $0x60, s21;
	s18 =	sor.u32 s18, s20;
	s20 =	sor.u32 s11, s8;
	v11 =	vld [tilespmem:s7+$0x0]  }
0x66: {  	s2 =	sand.u32 $0x60, s31;
	s0 =	sand.u32 $0x1F80, s0;
	s22 =	sor.u32 s21, s22;
	v16 =	vld [tilespmem:s20+$0x0]  }
0x67: {  	s3 =	sadd.s32 $0xFFFFFF80, s28;
	s0 =	sor.u32 s2, s0;
	s19 =	sadd.s32 $0x50, s12;
	v9 =	vld [tilespmem:s22+$0x0]  }
0x68: {  	s3 =	sand.u32 $0x7F00, s3;
	s5 =	sadd.s32 $0xFFFFFEE0, s28;
	s19 =	sand.u32 $0x70, s19;
	v17 =	vld [tilespmem:s0+$0x2000]  }
0x69: {  	s12 =	sand.u32 $0x60, s12;
	v18 =	vld [tilespmem:s29+$0x20];
	s5 =	sand.u32 $0x3F00, s5;
	s3 =	sor.u32 s19, s3  }
.Ltmp1:
0x6a: {  	s5 =	sor.u32 s12, s5;
	v13 =	vld [tilespmem:s3+$0x0];
	(pc) =	sbr.rel @p2 .LBB2_5-.Ltmp1, $4  }
0x6b: {  	v15 =	vld [tilespmem:s5+$0x0]  }
0x6c: {  	[tilespmem:v5+s16+$0x0] =	vst.idx.add.f32.msk $0xffff, v6  }
0x6d: {  	v6 =	vld [tilespmem:s29+$0xFFFFFFF0]  }
0x6e: {  	v5 =	vld [tilespmem:s18+$0x0]  }
0x6f: {  	_ =	sdelay $0x3  }
0x70: {  	[tilespmem:v7+s16+$0x0] =	vst.idx.add.f32.msk $0xffff, v3  }
0x71: {  	[tilespmem:v10+s16+$0x0] =	vst.idx.add.f32.msk $0xffff, v4  }
0x72: {  	[tilespmem:v13+s16+$0x0] =	vst.idx.add.f32.msk $0xffff, v8  }
0x73: {  	[tilespmem:v11+s16+$0x0] =	vst.idx.add.f32.msk $0xffff, v12  }
0x74: {  	[tilespmem:v14+s16+$0x0] =	vst.idx.add.f32.msk $0xffff, v6  }
0x75: {  	[tilespmem:v5+s16+$0x0] =	vst.idx.add.f32.msk $0xffff, v2  }
0x76: {  	p2 =	seq.s32 s24, $0x18;
	s0 =	rddreg [dreg:$0x9]  }
0x77: {  	s0 =	sadd.s32 @!p2 s26, s0  }
0x78: {  	[tilespmem:v16+s16+$0x0] =	vst.idx.add.f32.msk $0xffff, v18;
	s1 =	sshrl.u32 @!p2 s0, $0x2  }
0x79: {  	[tilespmem:v9+s16+$0x0] =	vst.idx.add.f32.msk $0xffff, v17;
	s1 =	sand.u32 @!p2 $0x1FFFFFE0, s1  }
0x7a: {  	s2 =	simm.s32 @!p2 $0x0;
	[tilespmem:v15+s16+$0x0] =	vst.idx.add.f32.msk $0xffff, v1;
	s0 =	sshrl.u32 @!p2 s0, $0x3;
	s1 =	sadd.s32 @!p2 s13, s1  }
0x7b: {  	[tilespmem:s2], [sflag:$0x1] =	stream.linear.gather @!p2 [hbm4b:s1+s2], $0x2000, $0x38;
	[tilespmem:$0x1E800] =	vst v63  }
0x7c: {  	s19 =	simm.s32 $0x2;
	s0 =	sadd.s32 @!p2 s17, s0;
	s1 =	simm.s32 @!p2 $0x2000  }
0x7d: {  	[tilespmem:s1], [sflag:$0x1] =	stream.linear.gather @!p2 [hbm4b:s0+s2], $0xFA0, $0x38;
	[tilespmem:$0x1E800] =	vst v63  }
0x7e: {  	_ =	swait.ge [sflag:s19], $0x2000  }
0x7f: {  	[sflag:s19] =	ssyncset.done $0x0  }
0x80: {  	[sflag:s19] =	ssyncadd.s32 $0xFFFFE000  }
0x81: {  	_ =	swait.ge [sflag:s19], $0xFA0  }
0x82: {  	s30 =	smov.u32 s13;
	s31 =	smov.u32 s17;
	[sflag:s19] =	ssyncset.done $0x0  }
0x83: {  	s3 =	sand.u32 $0x7F00, s25;
	s26 =	simm.s32 $0x5050;
	[sflag:s19] =	ssyncadd.s32 $0xFFFFF060  }
0x84: {  	s6 =	sadd.s32 $0xFFFFFF00, s25;
	s7 =	sadd.s32 $0xFFFFFF20, s25;
	s8 =	sadd.s32 $0xFFFFFF40, s25;
	v11 =	vld [tilespmem:s26+$0x40]  }
0x85: {  	s11 =	sadd.s32 $0xFFFFFF60, s25;
	s12 =	sadd.s32 $0xFFFFFF80, s25;
	s20 =	rddreg [dreg:$0x5];
	v1 =	vld [tilespmem:s26+$0xFFFFFFB0]  }
0x86: {  	s15 =	sadd.s32 $0xFFFFFFA0, s25;
	s17 =	sadd.s32 $0xFFFFFFC0, s25;
	s0 =	sadd.s32 $0x0, s20;
	v2 =	vld [tilespmem:s26+$0xFFFFFFC0]  }
0x87: {  	s21 =	sadd.s32 $0x90, s0;
	s22 =	sadd.s32 $0x10, s0;
	s4 =	sadd.s32 $0x20, s0;
	v3 =	vld [tilespmem:s26+$0xFFFFFFD0]  }
0x88: {  	s5 =	sadd.s32 $0x30, s0;
	s9 =	sadd.s32 $0x40, s0;
	s10 =	sadd.s32 $0x50, s0;
	v4 =	vld [tilespmem:s26+$0xFFFFFFE0]  }
0x89: {  	s13 =	sadd.s32 $0x60, s0;
	s14 =	sadd.s32 $0x70, s0;
	v16 =	vld [tilespmem:s26+$0x10];
	s1 =	sand.u32 $0x70, s21  }
0x8a: {  	v18 =	vld [tilespmem:s26+$0x20];
	s4 =	sand.u32 $0x60, s4;
	s1 =	sor.u32 s1, s3;
	s3 =	sand.u32 $0x7F00, s7  }
0x8b: {  	s2 =	sand.u32 $0x70, s22;
	v7 =	vld [tilespmem:s1+$0x3000];
	s1 =	sand.u32 $0x3F00, s6;
	s3 =	sor.u32 s4, s3  }
0x8c: {  	s5 =	sand.u32 $0x70, s5;
	s1 =	sor.u32 s2, s1;
	s2 =	sand.u32 $0x7F00, s8;
	v6 =	vld [tilespmem:s3+$0x3000]  }
0x8d: {  	s4 =	sand.u32 $0x60, s9;
	v5 =	vld [tilespmem:s1+$0x3000];
	s2 =	sor.u32 s5, s2;
	s5 =	sand.u32 $0x7F00, s11  }
0x8e: {  	s3 =	sand.u32 $0x7F00, s12;
	s1 =	sand.u32 $0x70, s10;
	s4 =	sor.u32 s4, s5;
	v10 =	vld [tilespmem:s2+$0x3000]  }
0x8f: {  	s1 =	sor.u32 s1, s3;
	s2 =	sand.u32 $0x60, s13;
	v8 =	vld [tilespmem:s4+$0x3000];
	s4 =	sand.u32 $0x7F00, s15  }
0x90: {  	s3 =	sand.u32 $0x70, s14;
	v9 =	vld [tilespmem:s1+$0x3000];
	s1 =	sand.u32 $0x7F00, s17;
	s2 =	sor.u32 s2, s4  }
0x91: {  	s1 =	sor.u32 s3, s1;
	v15 =	vld [tilespmem:s2+$0x3000]  }
0x92: {  	s19 =	sadd.s32 $0xFFFFFFE0, s25;
	s18 =	sadd.s32 $0x80, s0;
	v13 =	vld [tilespmem:s1+$0x3000]  }
0x93: {  	s20 =	sadd.s32 $0xFFFFFEE0, s25;
	s3 =	sand.u32 $0x7F00, s19;
	s2 =	sand.u32 $0x60, s18;
	[tilespmem:v7+s16+$0x0] =	vst.idx.add.f32.msk $0xffff, v11  }
0x94: {  	s0 =	sand.u32 $0x60, s0;
	s1 =	sand.u32 $0x3F00, s20;
	s2 =	sor.u32 s2, s3;
	v7 =	vld [tilespmem:s26+$0xFFFFFFF0]  }
0x95: {  	s28 =	simm.s32 $0x0;
	s21 =	simm.s32 $0x80;
	s0 =	sor.u32 s0, s1;
	v14 =	vld [tilespmem:s2+$0x3000]  }
0x96: {  	s22 =	sand.u32 $0x60, s28;
	s1 =	sand.u32 $0x1F80, s21;
	v12 =	vld [tilespmem:s0+$0x3000]  }
0x97: {  	v11 =	vld [tilespmem:s26+$0x0];
	s0 =	sor.u32 s22, s1  }
0x98: {  	s29 =	simm.s32 $0x0;
	v17 =	vld [tilespmem:s0+$0x5000]  }
.LBB2_7:
0x99: {  	_ =	sdelay $0x5  }
0x9a: {  	[tilespmem:v5+s16+$0x0] =	vst.idx.add.f32.msk $0xffff, v2  }
0x9b: {  	[tilespmem:v6+s16+$0x0] =	vst.idx.add.f32.msk $0xffff, v3  }
0x9c: {  	[tilespmem:v10+s16+$0x0] =	vst.idx.add.f32.msk $0xffff, v4  }
0x9d: {  	[tilespmem:v8+s16+$0x0] =	vst.idx.add.f32.msk $0xffff, v7  }
0x9e: {  	[tilespmem:v9+s16+$0x0] =	vst.idx.add.f32.msk $0xffff, v11  }
0x9f: {  	s0 =	rddreg [dreg:$0x5];
	s28 =	sadd.s32 $0xA0, s28;
	[tilespmem:v15+s16+$0x0] =	vst.idx.add.f32.msk $0xffff, v16  }
0xa0: {  	s1 =	sadd.s32 s28, s0;
	[tilespmem:v13+s16+$0x0] =	vst.idx.add.f32.msk $0xffff, v18  }
0xa1: {  	s25 =	sadd.s32 $0x140, s25;
	s4 =	sadd.s32 $0x90, s1;
	[tilespmem:v14+s16+$0x0] =	vst.idx.add.f32.msk $0xffff, v17  }
0xa2: {  	s26 =	sadd.s32 $0xA0, s26;
	s6 =	sand.u32 $0x7F00, s25;
	s4 =	sand.u32 $0x70, s4;
	[tilespmem:v12+s16+$0x0] =	vst.idx.add.f32.msk $0xffff, v1  }
0xa3: {  	s4 =	sor.u32 s4, s6;
	v6 =	vld [tilespmem:s26+$0x40]  }
0xa4: {  	s29 =	sadd.s32 $0xA, s29;
	v5 =	vld [tilespmem:s4+$0x3000]  }
0xa5: {  	p2 =	slt.u32 s29, $0xF0;
	v1 =	vld [tilespmem:s26+$0xFFFFFFB0]  }
0xa6: {  	s0 =	sadd.s32 $0x80, s28;
	s2 =	sand.u32 $0x60, s28;
	s17 =	sadd.s32 $0xFFFFFEE0, s25;
	v2 =	vld [tilespmem:s26+$0xFFFFFFC0]  }
0xa7: {  	s15 =	sadd.s32 $0xFFFFFF40, s25;
	s18 =	sadd.s32 $0xFFFFFF60, s25;
	s20 =	sadd.s32 $0xFFFFFFA0, s25;
	v3 =	vld [tilespmem:s26+$0xFFFFFFD0]  }
0xa8: {  	s21 =	sadd.s32 $0xFFFFFFC0, s25;
	s22 =	sadd.s32 $0xFFFFFFE0, s25;
	s7 =	sadd.s32 $0x30, s1;
	v4 =	vld [tilespmem:s26+$0xFFFFFFE0]  }
0xa9: {  	s8 =	sadd.s32 $0x40, s1;
	s9 =	sadd.s32 $0x60, s1;
	s10 =	sadd.s32 $0x70, s1;
	v7 =	vld [tilespmem:s26+$0xFFFFFFF0]  }
0xaa: {  	s12 =	sadd.s32 $0x80, s1;
	s15 =	sand.u32 $0x7F00, s15;
	s7 =	sand.u32 $0x70, s7;
	v11 =	vld [tilespmem:s26+$0x0]  }
0xab: {  	s18 =	sand.u32 $0x7F00, s18;
	s8 =	sand.u32 $0x60, s8;
	s7 =	sor.u32 s7, s15;
	v16 =	vld [tilespmem:s26+$0x10]  }
0xac: {  	s20 =	sand.u32 $0x7F00, s20;
	s9 =	sand.u32 $0x60, s9;
	s18 =	sor.u32 s8, s18;
	v10 =	vld [tilespmem:s7+$0x3000]  }
0xad: {  	s21 =	sand.u32 $0x7F00, s21;
	s10 =	sand.u32 $0x70, s10;
	s20 =	sor.u32 s9, s20;
	v8 =	vld [tilespmem:s18+$0x3000]  }
0xae: {  	s22 =	sand.u32 $0x7F00, s22;
	s12 =	sand.u32 $0x60, s12;
	s21 =	sor.u32 s10, s21;
	v15 =	vld [tilespmem:s20+$0x3000]  }
0xaf: {  	s19 =	sadd.s32 $0xFFFFFF80, s25;
	s0 =	sand.u32 $0x1F80, s0;
	s22 =	sor.u32 s12, s22;
	v13 =	vld [tilespmem:s21+$0x3000]  }
0xb0: {  	s3 =	sadd.s32 $0x10, s1;
	s13 =	sadd.s32 $0x50, s1;
	s0 =	sor.u32 s2, s0;
	v14 =	vld [tilespmem:s22+$0x3000]  }
0xb1: {  	s5 =	sadd.s32 $0x20, s1;
	s19 =	sand.u32 $0x7F00, s19;
	s6 =	sand.u32 $0x70, s13;
	v17 =	vld [tilespmem:s0+$0x5000]  }
0xb2: {  	s1 =	sand.u32 $0x60, s1;
	s4 =	sand.u32 $0x3F00, s17;
	s6 =	sor.u32 s6, s19;
	v18 =	vld [tilespmem:s26+$0x20]  }
.Ltmp2:
0xb3: {  	s11 =	sadd.s32 $0xFFFFFF00, s25;
	s1 =	sor.u32 s1, s4;
	v9 =	vld [tilespmem:s6+$0x3000];
	(pc) =	sbr.rel @p2 .LBB2_7-.Ltmp2, $4  }
0xb4: {  	s14 =	sadd.s32 $0xFFFFFF20, s25;
	s11 =	sand.u32 $0x3F00, s11;
	s3 =	sand.u32 $0x70, s3;
	v12 =	vld [tilespmem:s1+$0x3000]  }
0xb5: {  	s14 =	sand.u32 $0x7F00, s14;
	s5 =	sand.u32 $0x60, s5;
	s3 =	sor.u32 s3, s11;
	[tilespmem:v5+s16+$0x0] =	vst.idx.add.f32.msk $0xffff, v6  }
0xb6: {  	s5 =	sor.u32 s5, s14;
	v5 =	vld [tilespmem:s3+$0x3000]  }
0xb7: {  	v6 =	vld [tilespmem:s5+$0x3000]  }
0xb8: {  	_ =	sdelay $0x3  }
0xb9: {  	[tilespmem:v10+s16+$0x0] =	vst.idx.add.f32.msk $0xffff, v4  }
0xba: {  	[tilespmem:v8+s16+$0x0] =	vst.idx.add.f32.msk $0xffff, v7  }
0xbb: {  	[tilespmem:v9+s16+$0x0] =	vst.idx.add.f32.msk $0xffff, v11;
	s24 =	sadd.s32 $0x1, s24  }
0xbc: {  	[tilespmem:v15+s16+$0x0] =	vst.idx.add.f32.msk $0xffff, v16;
	p2 =	sne.s32 s24, $0x19  }
.Ltmp3:
0xbd: {  	[tilespmem:v13+s16+$0x0] =	vst.idx.add.f32.msk $0xffff, v18;
	(pc) =	sbr.rel @p2 .LBB2_4-.Ltmp3, $4  }
0xbe: {  	[tilespmem:v14+s16+$0x0] =	vst.idx.add.f32.msk $0xffff, v17  }
0xbf: {  	[tilespmem:v12+s16+$0x0] =	vst.idx.add.f32.msk $0xffff, v1  }
0xc0: {  	[tilespmem:v5+s16+$0x0] =	vst.idx.add.f32.msk $0xffff, v2  }
0xc1: {  	p1 =	por !p1, !p1;
	s23 =	sadd.s32 $0x2, s23;
	[tilespmem:v6+s16+$0x0] =	vst.idx.add.f32.msk $0xffff, v3  }
0xc2: {  	s0 =	rddreg [dreg:$0xa]  }
0xc3: {  	s1 =	simm.s32 $0x80;
	s2 =	simm.s32 $0x400;
	s26 =	simm.s32 $0x3  }
0xc4: {  	[hbm4b:s0+s1] =	stream.strided.scatter [tilespmem:s16], [sflag:$0x3], $0x18800, s2, s1, $0x38;
	[tilespmem:$0x1E800] =	vst v63  }
0xc5: {  	_ =	swait.ge [sflag:s26], $0x18800  }
0xc6: {  	s28 =	rddreg [dreg:$0xd]  }
0xc7: {  	s29 =	rddreg [dreg:$0xb];
	s2 =	sadd.s32 $0x1, s28  }
0xc8: {  	p1 =	sne.s32 s2, s29  }
.Ltmp4:
0xc9: {  	_ = 	snop;
	(pc) =	sbr.rel @p1 .LBB2_1-.Ltmp4, $3  }
0xca: {  	_ =	sdelay $0x1  }
0xcb: {  	[sflag:s26] =	ssyncset.done $0x0  }
0xcc: {  	[sflag:s26] =	ssyncadd.s32 $0xFFFE7800  }
0xcd: {  	_ =	sfence.sel $0x180000  }
0xce: {  	[bflag:$0x0] =	sbarrier.arrive $0xFFFF  }
0xcf: {  	_ =	strace $0x90000047  }
0xd0: {  	s0 =	stileid.u32;
	[bflag:$0x2] =	sbarrier.arrive $0xFFFF  }
0xd1: {  	p0 =	sne.s32 s0, $0x0;
	s0 =	rddreg [dreg:$0x3]  }
0xd2: {  	s0 =	sadd.s32 @!p0 $0x100000, s0  }
0xd3: {  	[sflag:s0] =	ssyncadd.tile.s32 @!p0 $0x1;
	_ =	shalt  }
.Lfunc_end2:
_tile_overlayer_lowered:
.L_overlay_start_2:
0xd4: {  	(tag) =	ssettag $0x2  }
0xd5: {  	s0 =	rddreg [dreg:$0x0];
	s2 =	stileid.u32  }
0xd6: {  	s1 =	rddreg [dreg:$0x1];
	p0 =	sne.s32 s2, $0x0  }
0xd7: {  	s3 =	rddreg [dreg:$0x2];
	[bflag:$0x3] =	sbarrier.arrive $0xFFFF;
	s2 =	simm.s32 @!p0 $0x1C03  }
0xd8: {  	[timem:s3], [sflag:s2] =	dma.local @!p0 [hbm:s0], s1  }
0xd9: {  	s0 =	simm.s32 @!p0 $0x3  }
0xda: {  	_ =	swait.ge @!p0 [sflag:s0], s1  }
0xdb: {  	s1 =	ssub.s32 @!p0 $0x0, s1;
	[sflag:s0] =	ssyncset.done @!p0 $0x0  }
0xdc: {  	[sflag:s0] =	ssyncadd.s32 @!p0 s1  }
0xdd: {  	[bflag:$0x3] =	sbarrier.arrive $0xFFFF  }
0xde: {  	_ =	shalt  }

</sc_bundles>
